<compile_context>
chip_gen: v7x
topology: tpu7x:2x2x1
jax: 0.10.2.dev20260603
libtpu: 0.0.44.dev20260713+nightly
codegen_flags: <defaults>
</compile_context>

<pallas_src>
import functools

import jax
import jax.numpy as jnp
from jax.experimental import pallas as pl

_NUM_HEADS = 16
_QB = 1024


def _mm_body(x_ref, w_ref, b_ref, o_ref):
    xb = x_ref[...].astype(jnp.bfloat16)
    wb = w_ref[...].astype(jnp.bfloat16)
    acc = jax.lax.dot_general(xb, wb, (((1,), (1,)), ((), ())),
                              preferred_element_type=jnp.float32)
    o_ref[...] = acc + b_ref[0:1, :]


def _matmul_bias(xm, w, b, bm, bn):
    M, K = xm.shape
    Nout = w.shape[0]
    bm = min(bm, M)
    bn = min(bn, Nout)
    bias = jnp.broadcast_to(b[None, :], (8, Nout))
    grid = (Nout // bn, M // bm)
    return pl.pallas_call(
        _mm_body,
        grid=grid,
        in_specs=[
            pl.BlockSpec((bm, K), lambda n, m: (m, 0)),
            pl.BlockSpec((bn, K), lambda n, m: (n, 0)),
            pl.BlockSpec((8, bn), lambda n, m: (0, n)),
        ],
        out_specs=pl.BlockSpec((bm, bn), lambda n, m: (m, n)),
        out_shape=jax.ShapeDtypeStruct((M, Nout), jnp.float32),
    )(xm, w, bias)


def _attn_body(q_ref, k_ref, v_ref, t_ref, o_ref, *, kf, scale, max_iters):
    qb = (q_ref[0, 0] / t_ref[0, 0]).astype(jnp.bfloat16)
    kb = k_ref[0, 0].astype(jnp.bfloat16)
    s = jax.lax.dot_general(qb, kb, (((1,), (1,)), ((), ())),
                            preferred_element_type=jnp.float32) * scale

    rowmax = jnp.max(s, axis=1, keepdims=True)
    rowmin = jnp.min(s, axis=1, keepdims=True)
    n_total = jnp.full_like(rowmax, s.shape[1])

    def count_ge(t):
        return jnp.sum((s >= t).astype(jnp.float32), axis=1, keepdims=True)

    def probe(state, mid):
        lo, cl, hi, ch = state
        cm = count_ge(mid)
        take = cm >= kf
        lo2 = jnp.where(take, mid, lo)
        cl2 = jnp.where(take, cm, cl)
        hi2 = jnp.where(take, hi, mid)
        ch2 = jnp.where(take, ch, cm)
        return (lo2, cl2, hi2, ch2)

    def falsi_mid(state):
        lo, cl, hi, ch = state
        frac = (cl - kf) / jnp.maximum(cl - ch, 1.0)
        frac = jnp.clip(frac, 0.03, 0.97)
        return lo + frac * (hi - lo)

    def cond(c):
        it, state, done = c
        return jnp.logical_and(it < max_iters, jnp.logical_not(done))

    def body(c):
        it, state, done = c
        state = probe(state, falsi_mid(state))
        done2 = jnp.max(jnp.abs(state[1] - kf)) == 0.0
        return (it + 1, state, done2)

    init = (rowmin, n_total, rowmax, jnp.ones_like(rowmax))
    _, (lo, _, _, _), _ = jax.lax.while_loop(
        cond, body, (jnp.int32(0), init, jnp.array(False)))

    e = jnp.where(s >= lo, jnp.exp(s - rowmax), 0.0)
    denom = jnp.sum(e, axis=1, keepdims=True)
    v = v_ref[0, 0].astype(jnp.bfloat16)
    o = jax.lax.dot_general(e.astype(jnp.bfloat16), v,
                            (((1,), (0,)), ((), ())),
                            preferred_element_type=jnp.float32)
    o_ref[0, 0] = o / denom


def _attention(qkvh, temp, B, N, C, H, hd, k_keep):
    nq = N // min(_QB, N)
    grid = (B, H, nq)
    qb = min(_QB, N)
    tarr = jnp.broadcast_to(temp.reshape(1, 1), (8, 128))
    body = functools.partial(_attn_body, kf=float(k_keep),
                             scale=hd ** -0.5, max_iters=40)
    return pl.pallas_call(
        body,
        grid=grid,
        in_specs=[
            pl.BlockSpec((1, 1, qb, hd), lambda b, h, qi: (b, h, qi, 0)),
            pl.BlockSpec((1, 1, N, hd), lambda b, h, qi: (b, H + h, 0, 0)),
            pl.BlockSpec((1, 1, N, hd), lambda b, h, qi: (b, 2 * H + h, 0, 0)),
            pl.BlockSpec((8, 128), lambda b, h, qi: (0, 0)),
        ],
        out_specs=pl.BlockSpec((1, 1, qb, hd), lambda b, h, qi: (b, h, qi, 0)),
        out_shape=jax.ShapeDtypeStruct((B, H, N, hd), jnp.float32),
    )(qkvh, qkvh, qkvh, tarr)


def kernel(x, Wqkv, bqkv, Wproj, bproj, temperature):
    B, N, C = x.shape
    H = _NUM_HEADS
    hd = C // H
    k_keep = max(1, int(N * 0.5))

    qkv = _matmul_bias(x.reshape(B * N, C), Wqkv, bqkv, bm=512, bn=1536)
    qkvh = qkv.reshape(B, N, 3 * H, hd).transpose(0, 2, 1, 3)

    temp = jnp.clip(temperature, 0.01, None)
    attn = _attention(qkvh, temp, B, N, C, H, hd, k_keep)
    y = attn.transpose(0, 2, 1, 3).reshape(B * N, C)

    out = _matmul_bias(y, Wproj, bproj, bm=1024, bn=1024)
    return out.reshape(B, N, C)

# --- scband reference (transcript-rebuilt; emitter-appended) ---
"""Pipeline reference for scband-hsifusion-net-v25-lightning-pro-21268678049969 (READ-ONLY COPY).

The authoritative reference and input builder live on the scoring server;
editing this copy changes nothing except your own understanding.
"""

import jax, jax.numpy as jnp
import numpy as np

DIM = 1024
NUM_HEADS = 16
HEAD_DIM = DIM // NUM_HEADS
SPARSITY_RATIO = 0.5
SCALE = HEAD_DIM ** -0.5


def setup_inputs(seed: int = 0) -> dict:
    key = jax.random.key(seed)
    k_x, k_wqkv, k_bqkv, k_wproj, k_bproj = jax.random.split(key, 5)
    B, N, C = 2, 2048, DIM
    x = jax.random.normal(k_x, (B, N, C), dtype=jnp.float32)
    Wqkv = jax.random.normal(k_wqkv, (3 * C, C), dtype=jnp.float32) * 0.02
    bqkv = jnp.zeros((3 * C,), dtype=jnp.float32)
    Wproj = jax.random.normal(k_wproj, (C, C), dtype=jnp.float32) * 0.02
    bproj = jnp.zeros((C,), dtype=jnp.float32)
    temperature = jnp.ones((1,), dtype=jnp.float32) * 0.1
    return {"x": x, "Wqkv": Wqkv, "bqkv": bqkv, "Wproj": Wproj, "bproj": bproj, "temperature": temperature}


def reference(x, Wqkv, bqkv, Wproj, bproj, temperature):
    B, N, C = x.shape
    H = NUM_HEADS
    hd = C // H
    qkv = x @ Wqkv.T + bqkv
    qkv = qkv.reshape(B, N, 3, H, hd).transpose(2, 0, 3, 1, 4)
    q, k, v = qkv[0], qkv[1], qkv[2]
    temp = jnp.clip(temperature, 0.01, None)
    q = q / temp
    # sparse_attention_topk: full scores, keep top-k per query, mask rest, softmax
    attn = jnp.einsum('bhnd,bhmd->bhnm', q, k) * SCALE
    k_keep = max(1, int(N * SPARSITY_RATIO))
    topv, _ = jax.lax.top_k(attn, k_keep)
    thresh = topv[..., -1:]
    neg = jnp.finfo(attn.dtype).min
    masked = jnp.where(attn >= thresh, attn, neg)
    probs = jax.nn.softmax(masked, axis=-1)
    out = jnp.einsum('bhnm,bhmd->bhnd', probs, v)
    out = out.transpose(0, 2, 1, 3).reshape(B, N, C)
    out = out @ Wproj.T + bproj
    return out

if __name__ == "__main__":
    import jax
    _d = setup_inputs()
    print(jax.jit(kernel)(*tuple(_d.values())))

</pallas_src>

<mosaic_0001>
module attributes {stable_mosaic.version = 14 : i64} {
  func.func @_attn_body(%arg0: i32, %arg1: i32, %arg2: i32, %arg3: memref<1x1x1024x64xf32, #tpu.memory_space<vmem>>, %arg4: memref<1x1x2048x64xf32, #tpu.memory_space<vmem>>, %arg5: memref<1x1x2048x64xf32, #tpu.memory_space<vmem>>, %arg6: memref<8x128xf32, #tpu.memory_space<vmem>>, %arg7: memref<1x1x1024x64xf32, #tpu.memory_space<vmem>>) attributes {dimension_semantics = [#tpu.dimension_semantics<arbitrary>, #tpu.dimension_semantics<arbitrary>, #tpu.dimension_semantics<arbitrary>], iteration_bounds = array<i64: 2, 16, 2>, scalar_prefetch = 0 : i64, scratch_operands = 0 : i64, tpu.core_type = #tpu.core_type<tc>, window_params = [{transform_indices = @transform_0, window_bounds = array<i64: 1, 1, 1024, 64>}, {transform_indices = @transform_1, window_bounds = array<i64: 1, 1, 2048, 64>}, {transform_indices = @transform_2, window_bounds = array<i64: 1, 1, 2048, 64>}, {pipeline_mode = #tpu.pipeline_mode<synchronous>, transform_indices = @transform_3, window_bounds = array<i64: 8, 128>}, {transform_indices = @transform_4, window_bounds = array<i64: 1, 1, 1024, 64>}]} {
    %get3A = arith.constant 0 : index
    %get3A_0 = arith.constant 0 : index
    %get3A_1 = arith.constant 0 : index
    %get3A_2 = arith.constant 0 : index
    %get3A_3 = vector.load %arg3[%get3A, %get3A_0, %get3A_1, %get3A_2] : memref<1x1x1024x64xf32, #tpu.memory_space<vmem>>, vector<1x1x1024x64xf32>
    %get3A_4 = vector.shape_cast %get3A_3 : vector<1x1x1024x64xf32> to vector<1024x64xf32>
    %get3A_5 = arith.constant 0 : index
    %get3A_6 = arith.constant 0 : index
    %get3A_7 = vector.load %arg6[%get3A_5, %get3A_6] : memref<8x128xf32, #tpu.memory_space<vmem>>, vector<1x1xf32>
    %get3A_8 = vector.extract %get3A_7[0, 0] : f32 from vector<1x1xf32>
    %div3A = vector.broadcast %get3A_8 : f32 to vector<1024x64xf32>
    %div3A_9 = arith.divf %get3A_4, %div3A : vector<1024x64xf32>
    %convert_element_type3A = arith.truncf %div3A_9 : vector<1024x64xf32> to vector<1024x64xbf16>
    %get3A_10 = arith.constant 0 : index
    %get3A_11 = arith.constant 0 : index
    %get3A_12 = arith.constant 0 : index
    %get3A_13 = arith.constant 0 : index
    %get3A_14 = vector.load %arg4[%get3A_10, %get3A_11, %get3A_12, %get3A_13] : memref<1x1x2048x64xf32, #tpu.memory_space<vmem>>, vector<1x1x2048x64xf32>
    %get3A_15 = vector.shape_cast %get3A_14 : vector<1x1x2048x64xf32> to vector<2048x64xf32>
    %convert_element_type3A_16 = arith.truncf %get3A_15 : vector<2048x64xf32> to vector<2048x64xbf16>
    %dot_general3A = arith.constant dense<0.000000e+00> : vector<1024x2048xf32>
    %dot_general3A_17 = tpu.matmul %convert_element_type3A, %convert_element_type3A_16, %dot_general3A {dimension_numbers = #tpu.dot_dimension_numbers<[1], [1], [0], [0], [0, 0, 1, 0], [], []>, transpose_lhs_hint = false} : vector<1024x64xbf16>, vector<2048x64xbf16>, vector<1024x2048xf32> -> vector<1024x2048xf32>
    %mul3A = arith.constant 1.250000e-01 : f32
    %mul3A_18 = vector.broadcast %mul3A : f32 to vector<1024x2048xf32>
    %mul3A_19 = arith.mulf %dot_general3A_17, %mul3A_18 : vector<1024x2048xf32>
    %reduce_max3A = arith.constant dense<0xFF800000> : vector<1024xf32>
    %reduce_max3A_20 = vector.multi_reduction <maximumf>, %mul3A_19, %reduce_max3A [1] : vector<1024x2048xf32> to vector<1024xf32>
    %broadcast_in_dim3A = vector.shape_cast %reduce_max3A_20 : vector<1024xf32> to vector<1024x1xf32>
    %reduce_min3A = arith.constant dense<0x7F800000> : vector<1024xf32>
    %reduce_min3A_21 = vector.multi_reduction <minimumf>, %mul3A_19, %reduce_min3A [1] : vector<1024x2048xf32> to vector<1024xf32>
    %broadcast_in_dim3A_22 = vector.shape_cast %reduce_min3A_21 : vector<1024xf32> to vector<1024x1xf32>
    %broadcast_in_dim3A_23 = arith.constant 2.048000e+03 : f32
    %broadcast_in_dim3A_24 = vector.broadcast %broadcast_in_dim3A_23 : f32 to vector<1024x1xf32>
    %broadcast_in_dim3A_25 = arith.constant 1.000000e+00 : f32
    %broadcast_in_dim3A_26 = vector.broadcast %broadcast_in_dim3A_25 : f32 to vector<1024x1xf32>
    %while3A = arith.constant 0 : i32
    %while3A_27 = arith.constant false
    %while3A_28:6 = scf.while (%while3A_52 = %while3A, %while3A_53 = %broadcast_in_dim3A_22, %while3A_54 = %broadcast_in_dim3A_24, %while3A_55 = %broadcast_in_dim3A, %while3A_56 = %broadcast_in_dim3A_26, %while3A_57 = %while3A_27) : (i32, vector<1024x1xf32>, vector<1024x1xf32>, vector<1024x1xf32>, vector<1024x1xf32>, i1) -> (i32, vector<1024x1xf32>, vector<1024x1xf32>, vector<1024x1xf32>, vector<1024x1xf32>, i1) {
      %lt3A = arith.constant 40 : i32
      %lt3A_58 = arith.cmpi slt, %while3A_52, %lt3A : i32
      %not3A = arith.constant true
      %not3A_59 = arith.xori %while3A_57, %not3A : i1
      %and3A = arith.andi %lt3A_58, %not3A_59 : i1
      scf.condition(%and3A) %while3A_52, %while3A_53, %while3A_54, %while3A_55, %while3A_56, %while3A_57 : i32, vector<1024x1xf32>, vector<1024x1xf32>, vector<1024x1xf32>, vector<1024x1xf32>, i1
    } do {
    ^bb0(%while3A_52: i32, %while3A_53: vector<1024x1xf32>, %while3A_54: vector<1024x1xf32>, %while3A_55: vector<1024x1xf32>, %while3A_56: vector<1024x1xf32>, %while3A_57: i1):
      %sub3A_58 = arith.constant 1.024000e+03 : f32
      %sub3A_59 = vector.broadcast %sub3A_58 : f32 to vector<1024x1xf32>
      %sub3A_60 = arith.subf %while3A_54, %sub3A_59 : vector<1024x1xf32>
      %sub3A_61 = arith.subf %while3A_54, %while3A_56 : vector<1024x1xf32>
      %max3A = arith.constant 1.000000e+00 : f32
      %max3A_62 = vector.broadcast %max3A : f32 to vector<1024x1xf32>
      %max3A_63 = arith.maximumf %sub3A_61, %max3A_62 : vector<1024x1xf32>
      %div3A_64 = arith.divf %sub3A_60, %max3A_63 : vector<1024x1xf32>
      %jit3A_65 = arith.constant 3.000000e-02 : f32
      %jit3A_66 = arith.constant 9.700000e-01 : f32
      %max3A_67 = vector.broadcast %jit3A_65 : f32 to vector<1024x1xf32>
      %max3A_68 = arith.maximumf %max3A_67, %div3A_64 : vector<1024x1xf32>
      %min3A = vector.broadcast %jit3A_66 : f32 to vector<1024x1xf32>
      %min3A_69 = arith.minimumf %min3A, %max3A_68 : vector<1024x1xf32>
      %sub3A_70 = arith.subf %while3A_55, %while3A_53 : vector<1024x1xf32>
      %mul3A_71 = arith.mulf %min3A_69, %sub3A_70 : vector<1024x1xf32>
      %add3A = arith.addf %while3A_53, %mul3A_71 : vector<1024x1xf32>
      %ge3A_72 = vector.broadcast %add3A : vector<1024x1xf32> to vector<1024x2048xf32>
      %ge3A_73 = arith.cmpf oge, %mul3A_19, %ge3A_72 : vector<1024x2048xf32>
      %convert_element_type3A_74 = arith.extui %ge3A_73 : vector<1024x2048xi1> to vector<1024x2048xi32>
      %convert_element_type3A_75 = arith.sitofp %convert_element_type3A_74 : vector<1024x2048xi32> to vector<1024x2048xf32>
      %reduce_sum3A_76 = arith.constant dense<0.000000e+00> : vector<1024xf32>
      %reduce_sum3A_77 = vector.multi_reduction <add>, %convert_element_type3A_75, %reduce_sum3A_76 [1] : vector<1024x2048xf32> to vector<1024xf32>
      %broadcast_in_dim3A_78 = vector.shape_cast %reduce_sum3A_77 : vector<1024xf32> to vector<1024x1xf32>
      %ge3A_79 = arith.constant 1.024000e+03 : f32
      %ge3A_80 = vector.broadcast %ge3A_79 : f32 to vector<1024x1xf32>
      %ge3A_81 = arith.cmpf oge, %broadcast_in_dim3A_78, %ge3A_80 : vector<1024x1xf32>
      %select_n3A_82 = arith.select %ge3A_81, %add3A, %while3A_53 : vector<1024x1xi1>, vector<1024x1xf32>
      %select_n3A_83 = arith.select %ge3A_81, %broadcast_in_dim3A_78, %while3A_54 : vector<1024x1xi1>, vector<1024x1xf32>
      %select_n3A_84 = arith.select %ge3A_81, %while3A_55, %add3A : vector<1024x1xi1>, vector<1024x1xf32>
      %select_n3A_85 = arith.select %ge3A_81, %while3A_56, %broadcast_in_dim3A_78 : vector<1024x1xi1>, vector<1024x1xf32>
      %sub3A_86 = arith.constant 1.024000e+03 : f32
      %sub3A_87 = vector.broadcast %sub3A_86 : f32 to vector<1024x1xf32>
      %sub3A_88 = arith.subf %select_n3A_83, %sub3A_87 : vector<1024x1xf32>
      %abs3A = math.absf %sub3A_88 : vector<1024x1xf32>
      %reduce_max3A_89 = vector.shape_cast %abs3A : vector<1024x1xf32> to vector<1x1024x1xf32>
      %reduce_max3A_90 = arith.constant dense<0xFF800000> : vector<1xf32>
      %reduce_max3A_91 = vector.multi_reduction <maximumf>, %reduce_max3A_89, %reduce_max3A_90 [1, 2] : vector<1x1024x1xf32> to vector<1xf32>
      %reduce_max3A_92 = vector.shape_cast %reduce_max3A_91 : vector<1xf32> to vector<1x1x1xf32>
      %reduce_max3A_93 = vector.extract %reduce_max3A_92[0, 0, 0] : f32 from vector<1x1x1xf32>
      %eq3A = arith.constant 0.000000e+00 : f32
      %eq3A_94 = arith.cmpf oeq, %reduce_max3A_93, %eq3A : f32
      %add3A_95 = arith.constant 1 : i32
      %add3A_96 = arith.addi %while3A_52, %add3A_95 : i32
      scf.yield %add3A_96, %select_n3A_82, %select_n3A_83, %select_n3A_84, %select_n3A_85, %eq3A_94 : i32, vector<1024x1xf32>, vector<1024x1xf32>, vector<1024x1xf32>, vector<1024x1xf32>, i1
    }
    %ge3A = vector.broadcast %while3A_28#1 : vector<1024x1xf32> to vector<1024x2048xf32>
    %ge3A_29 = arith.cmpf oge, %mul3A_19, %ge3A : vector<1024x2048xf32>
    %sub3A = vector.broadcast %broadcast_in_dim3A : vector<1024x1xf32> to vector<1024x2048xf32>
    %sub3A_30 = arith.subf %mul3A_19, %sub3A : vector<1024x2048xf32>
    %exp3A = math.exp %sub3A_30 : vector<1024x2048xf32>
    %jit3A = arith.constant 0.000000e+00 : f32
    %broadcast_in_dim3A_31 = vector.broadcast %jit3A : f32 to vector<1024x2048xf32>
    %select_n3A = arith.select %ge3A_29, %exp3A, %broadcast_in_dim3A_31 : vector<1024x2048xi1>, vector<1024x2048xf32>
    %reduce_sum3A = arith.constant dense<0.000000e+00> : vector<1024xf32>
    %reduce_sum3A_32 = vector.multi_reduction <add>, %select_n3A, %reduce_sum3A [1] : vector<1024x2048xf32> to vector<1024xf32>
    %broadcast_in_dim3A_33 = vector.shape_cast %reduce_sum3A_32 : vector<1024xf32> to vector<1024x1xf32>
    %get3A_34 = arith.constant 0 : index
    %get3A_35 = arith.constant 0 : index
    %get3A_36 = arith.constant 0 : index
    %get3A_37 = arith.constant 0 : index
    %get3A_38 = vector.load %arg5[%get3A_34, %get3A_35, %get3A_36, %get3A_37] : memref<1x1x2048x64xf32, #tpu.memory_space<vmem>>, vector<1x1x2048x64xf32>
    %get3A_39 = vector.shape_cast %get3A_38 : vector<1x1x2048x64xf32> to vector<2048x64xf32>
    %convert_element_type3A_40 = arith.truncf %get3A_39 : vector<2048x64xf32> to vector<2048x64xbf16>
    %convert_element_type3A_41 = arith.truncf %select_n3A : vector<1024x2048xf32> to vector<1024x2048xbf16>
    %dot_general3A_42 = arith.constant dense<0.000000e+00> : vector<1024x64xf32>
    %dot_general3A_43 = tpu.matmul %convert_element_type3A_41, %convert_element_type3A_40, %dot_general3A_42 {dimension_numbers = #tpu.dot_dimension_numbers<[1], [0], [0], [1], [0, 0, 1, 1], [], []>, transpose_lhs_hint = false} : vector<1024x2048xbf16>, vector<2048x64xbf16>, vector<1024x64xf32> -> vector<1024x64xf32>
    %div3A_44 = vector.broadcast %broadcast_in_dim3A_33 : vector<1024x1xf32> to vector<1024x64xf32>
    %div3A_45 = arith.divf %dot_general3A_43, %div3A_44 : vector<1024x64xf32>
    %swap3A = arith.constant 0 : index
    %swap3A_46 = arith.constant 0 : index
    %swap3A_47 = arith.constant 0 : index
    %swap3A_48 = arith.constant 0 : index
    %swap3A_49 = vector.load %arg7[%swap3A, %swap3A_46, %swap3A_47, %swap3A_48] : memref<1x1x1024x64xf32, #tpu.memory_space<vmem>>, vector<1x1x1024x64xf32>
    %swap3A_50 = vector.shape_cast %swap3A_49 : vector<1x1x1024x64xf32> to vector<1024x64xf32>
    %swap3A_51 = vector.shape_cast %div3A_45 : vector<1024x64xf32> to vector<1x1x1024x64xf32>
    tpu.vector_store %arg7[%swap3A, %swap3A_46, %swap3A_47, %swap3A_48], %swap3A_51 {strides = array<i32>} : memref<1x1x1024x64xf32, #tpu.memory_space<vmem>>, vector<1x1x1024x64xf32>,
    return
  }
  func.func @transform_0(%arg0: i32, %arg1: i32, %arg2: i32) -> (i32, i32, i32, i32) {
    %c0_i32 = arith.constant 0 : i32
    %c0_i32_0 = arith.constant 0 : i32
    return %arg0, %arg1, %arg2, %c0_i32 : i32, i32, i32, i32
  }
  func.func @transform_1(%arg0: i32, %arg1: i32, %arg2: i32) -> (i32, i32, i32, i32) {
    %add3A = arith.constant 16 : i32
    %add3A_0 = arith.addi %add3A, %arg1 : i32
    %c0_i32 = arith.constant 0 : i32
    %c0_i32_1 = arith.constant 0 : i32
    %c0_i32_2 = arith.constant 0 : i32
    return %arg0, %add3A_0, %c0_i32, %c0_i32_1 : i32, i32, i32, i32
  }
  func.func @transform_2(%arg0: i32, %arg1: i32, %arg2: i32) -> (i32, i32, i32, i32) {
    %add3A = arith.constant 32 : i32
    %add3A_0 = arith.addi %add3A, %arg1 : i32
    %c0_i32 = arith.constant 0 : i32
    %c0_i32_1 = arith.constant 0 : i32
    %c0_i32_2 = arith.constant 0 : i32
    return %arg0, %add3A_0, %c0_i32, %c0_i32_1 : i32, i32, i32, i32
  }
  func.func @transform_3(%arg0: i32, %arg1: i32, %arg2: i32) -> (i32, i32) {
    %c0_i32 = arith.constant 0 : i32
    %c0_i32_0 = arith.constant 0 : i32
    %c0_i32_1 = arith.constant 0 : i32
    return %c0_i32, %c0_i32_0 : i32, i32
  }
  func.func @transform_4(%arg0: i32, %arg1: i32, %arg2: i32) -> (i32, i32, i32, i32) {
    %c0_i32 = arith.constant 0 : i32
    %c0_i32_0 = arith.constant 0 : i32
    return %arg0, %arg1, %arg2, %c0_i32 : i32, i32, i32, i32
  }
}

module attributes {stable_mosaic.version = 14 : i64} {
  func.func @_mm_body(%arg0: i32, %arg1: i32, %arg2: memref<512x1024xf32, #tpu.memory_space<vmem>>, %arg3: memref<1536x1024xf32, #tpu.memory_space<vmem>>, %arg4: memref<8x1536xf32, #tpu.memory_space<vmem>>, %arg5: memref<512x1536xf32, #tpu.memory_space<vmem>>) attributes {dimension_semantics = [#tpu.dimension_semantics<arbitrary>, #tpu.dimension_semantics<arbitrary>], iteration_bounds = array<i64: 2, 8>, scalar_prefetch = 0 : i64, scratch_operands = 0 : i64, tpu.core_type = #tpu.core_type<tc>, window_params = [{transform_indices = @transform_0, window_bounds = array<i64: 512, 1024>}, {transform_indices = @transform_1, window_bounds = array<i64: 1536, 1024>}, {transform_indices = @transform_2, window_bounds = array<i64: 8, 1536>}, {transform_indices = @transform_3, window_bounds = array<i64: 512, 1536>}]} {
    %get3A = arith.constant 0 : index
    %get3A_0 = arith.constant 0 : index
    %get3A_1 = vector.load %arg2[%get3A, %get3A_0] : memref<512x1024xf32, #tpu.memory_space<vmem>>, vector<512x1024xf32>
    %convert_element_type3A = arith.truncf %get3A_1 : vector<512x1024xf32> to vector<512x1024xbf16>
    %get3A_2 = arith.constant 0 : index
    %get3A_3 = arith.constant 0 : index
    %get3A_4 = vector.load %arg3[%get3A_2, %get3A_3] : memref<1536x1024xf32, #tpu.memory_space<vmem>>, vector<1536x1024xf32>
    %convert_element_type3A_5 = arith.truncf %get3A_4 : vector<1536x1024xf32> to vector<1536x1024xbf16>
    %dot_general3A = arith.constant dense<0.000000e+00> : vector<512x1536xf32>
    %dot_general3A_6 = tpu.matmul %convert_element_type3A, %convert_element_type3A_5, %dot_general3A {dimension_numbers = #tpu.dot_dimension_numbers<[1], [1], [0], [0], [0, 0, 1, 0], [], []>, transpose_lhs_hint = false} : vector<512x1024xbf16>, vector<1536x1024xbf16>, vector<512x1536xf32> -> vector<512x1536xf32>
    %get3A_7 = arith.constant 0 : index
    %get3A_8 = arith.constant 0 : index
    %get3A_9 = vector.load %arg4[%get3A_7, %get3A_8] : memref<8x1536xf32, #tpu.memory_space<vmem>>, vector<1x1536xf32>
    %add3A = vector.broadcast %get3A_9 : vector<1x1536xf32> to vector<512x1536xf32>
    %add3A_10 = arith.addf %dot_general3A_6, %add3A : vector<512x1536xf32>
    %swap3A = arith.constant 0 : index
    %swap3A_11 = arith.constant 0 : index
    %swap3A_12 = vector.load %arg5[%swap3A, %swap3A_11] : memref<512x1536xf32, #tpu.memory_space<vmem>>, vector<512x1536xf32>
    tpu.vector_store %arg5[%swap3A, %swap3A_11], %add3A_10 {strides = array<i32>} : memref<512x1536xf32, #tpu.memory_space<vmem>>, vector<512x1536xf32>,
    return
  }
  func.func @transform_0(%arg0: i32, %arg1: i32) -> (i32, i32) {
    %c0_i32 = arith.constant 0 : i32
    %c0_i32_0 = arith.constant 0 : i32
    return %arg1, %c0_i32 : i32, i32
  }
  func.func @transform_1(%arg0: i32, %arg1: i32) -> (i32, i32) {
    %c0_i32 = arith.constant 0 : i32
    %c0_i32_0 = arith.constant 0 : i32
    return %arg0, %c0_i32 : i32, i32
  }
  func.func @transform_2(%arg0: i32, %arg1: i32) -> (i32, i32) {
    %c0_i32 = arith.constant 0 : i32
    %c0_i32_0 = arith.constant 0 : i32
    return %c0_i32, %arg0 : i32, i32
  }
  func.func @transform_3(%arg0: i32, %arg1: i32) -> (i32, i32) {
    %c0_i32 = arith.constant 0 : i32
    return %arg1, %arg0 : i32, i32
  }
}

module attributes {stable_mosaic.version = 14 : i64} {
  func.func @_mm_body(%arg0: i32, %arg1: i32, %arg2: memref<1024x1024xf32, #tpu.memory_space<vmem>>, %arg3: memref<1024x1024xf32, #tpu.memory_space<vmem>>, %arg4: memref<8x1024xf32, #tpu.memory_space<vmem>>, %arg5: memref<1024x1024xf32, #tpu.memory_space<vmem>>) attributes {dimension_semantics = [#tpu.dimension_semantics<arbitrary>, #tpu.dimension_semantics<arbitrary>], iteration_bounds = array<i64: 1, 4>, scalar_prefetch = 0 : i64, scratch_operands = 0 : i64, tpu.core_type = #tpu.core_type<tc>, window_params = [{transform_indices = @transform_0, window_bounds = array<i64: 1024, 1024>}, {transform_indices = @transform_1, window_bounds = array<i64: 1024, 1024>}, {transform_indices = @transform_2, window_bounds = array<i64: 8, 1024>}, {transform_indices = @transform_3, window_bounds = array<i64: 1024, 1024>}]} {
    %get3A = arith.constant 0 : index
    %get3A_0 = arith.constant 0 : index
    %get3A_1 = vector.load %arg2[%get3A, %get3A_0] : memref<1024x1024xf32, #tpu.memory_space<vmem>>, vector<1024x1024xf32>
    %convert_element_type3A = arith.truncf %get3A_1 : vector<1024x1024xf32> to vector<1024x1024xbf16>
    %get3A_2 = arith.constant 0 : index
    %get3A_3 = arith.constant 0 : index
    %get3A_4 = vector.load %arg3[%get3A_2, %get3A_3] : memref<1024x1024xf32, #tpu.memory_space<vmem>>, vector<1024x1024xf32>
    %convert_element_type3A_5 = arith.truncf %get3A_4 : vector<1024x1024xf32> to vector<1024x1024xbf16>
    %dot_general3A = arith.constant dense<0.000000e+00> : vector<1024x1024xf32>
    %dot_general3A_6 = tpu.matmul %convert_element_type3A, %convert_element_type3A_5, %dot_general3A {dimension_numbers = #tpu.dot_dimension_numbers<[1], [1], [0], [0], [0, 0, 1, 0], [], []>, transpose_lhs_hint = false} : vector<1024x1024xbf16>, vector<1024x1024xbf16>, vector<1024x1024xf32> -> vector<1024x1024xf32>
    %get3A_7 = arith.constant 0 : index
    %get3A_8 = arith.constant 0 : index
    %get3A_9 = vector.load %arg4[%get3A_7, %get3A_8] : memref<8x1024xf32, #tpu.memory_space<vmem>>, vector<1x1024xf32>
    %add3A = vector.broadcast %get3A_9 : vector<1x1024xf32> to vector<1024x1024xf32>
    %add3A_10 = arith.addf %dot_general3A_6, %add3A : vector<1024x1024xf32>
    %swap3A = arith.constant 0 : index
    %swap3A_11 = arith.constant 0 : index
    %swap3A_12 = vector.load %arg5[%swap3A, %swap3A_11] : memref<1024x1024xf32, #tpu.memory_space<vmem>>, vector<1024x1024xf32>
    tpu.vector_store %arg5[%swap3A, %swap3A_11], %add3A_10 {strides = array<i32>} : memref<1024x1024xf32, #tpu.memory_space<vmem>>, vector<1024x1024xf32>,
    return
  }
  func.func @transform_0(%arg0: i32, %arg1: i32) -> (i32, i32) {
    %c0_i32 = arith.constant 0 : i32
    %c0_i32_0 = arith.constant 0 : i32
    return %arg1, %c0_i32 : i32, i32
  }
  func.func @transform_1(%arg0: i32, %arg1: i32) -> (i32, i32) {
    %c0_i32 = arith.constant 0 : i32
    %c0_i32_0 = arith.constant 0 : i32
    return %arg0, %c0_i32 : i32, i32
  }
  func.func @transform_2(%arg0: i32, %arg1: i32) -> (i32, i32) {
    %c0_i32 = arith.constant 0 : i32
    %c0_i32_0 = arith.constant 0 : i32
    return %c0_i32, %arg0 : i32, i32
  }
  func.func @transform_3(%arg0: i32, %arg1: i32) -> (i32, i32) {
    %c0_i32 = arith.constant 0 : i32
    return %arg1, %arg0 : i32, i32
  }
}

</mosaic_0001>

<sc_bundles>
// kernel: sparse-core-data-format-call.cloned.1.call-start
scs
called_computation_lowered:
.L_overlay_start_0:
0x0: {  	s1 =	sld [smem:$0x3FD9]  }
0x1: {  	s2 =	sld [smem:$0x3FFE];
	_ =	sdelay $0x1  }
0x2: {  	s3 =	srdreg.scid  }
0x3: {  	s0 =	sand.u32 $0x1, s3  }
0x4: {  	s17 =	sshll.u32 s0, $0xA;
	s1 =	sadd.s32 s2, s1  }
0x5: {  	s1 =	sadd.s32 s1, s17  }
0x6: {  	[smem:$0x3FC2] =	sst s1  }
0x7: {  	_ = 	snop  }
0x8: {  	(tm) =	ssettm $0x1  }
0x9: {  	s18 =	sld [smem:$0x3FFB];
	_ =	sdelay $0x3  }
0xa: {  	_ =	strace s18  }
0xb: {  	s1 =	sld [smem:$0x3FFC];
	_ =	sdelay $0x3  }
0xc: {  	_ =	strace s1  }
0xd: {  	s1 =	sld [smem:$0x3FFD];
	_ =	sdelay $0x3  }
0xe: {  	_ =	strace s1  }
0xf: {  	_ =	strace $0x8FFFFFFF  }
0x10: {  	s19 =	sld [smem:$0x3FDB];
	_ =	sdelay $0x1  }
0x11: {  	s20 =	simm.s32 $_scs_section_size  }
0x12: {  	s4 =	simm.s32 $_size__tile_overlayer_lowered;
	s5 =	simm.s32 $_tile_overlayer_lowered  }
0x13: {  	s23 =	simm.s32 $0x1BFF;
	s22 =	sshll.u32 s5, $0x1;
	s1 =	sadd.s32 s20, s19  }
0x14: {  	s6 =	simm.s32 $0x0;
	s21 =	sshll.u32 s4, $0x1;
	s4 =	sadd.s32 s22, s1  }
0x15: {  	[timem:s6], [sflag:s23] =	dma.local [hbm:s4], s21  }
0x16: {  	_ =	swait.ge [sflag:s23], s21  }
0x17: {  	s2 =	ssub.s32 $0x0, s21;
	[sflag:s23] =	ssyncset.done $0x0  }
0x18: {  	[sflag:s23] =	ssyncadd.s32 s2;
	_ =	sdelay $0x1  }
0x19: {  	s24 =	simm.s32 $0x1B8B  }
0x1a: {  	_ =	swait.ge [sflag:s24], $0x1  }
0x1b: {  	[sflag:s24] =	ssyncset.done $0x0  }
0x1c: {  	s26 =	simm.s32 $0x1B8E;
	s25 =	sld [smem:$0x3FFE];
	[sflag:s24] =	ssyncadd.s32 $0xFFFFFFFF  }
0x1d: {  	s27 =	simm.s32 $execute0_lowered;
	[smem:$0x3FD2] =	sst s26  }
0x1e: {  	s4 =	sshll.u32 s27, $0x1;
	_ =	strace $0x80000046;
	[dreg:$0x1] =	wrdreg $0xFFFFFFFF  }
0x1f: {  	s28 =	simm.s32 $_size_execute0_lowered;
	s1 =	sadd.s32 s1, s4;
	[dreg:$0x0] =	wrdreg $0x0  }
0x20: {  	s4 =	sshll.u32 s28, $0x1;
	[dreg:$0x2] =	wrdreg s1  }
0x21: {  	[dreg:$0x3] =	wrdreg s4  }
0x22: {  	[dreg:$0x4] =	wrdreg $0xC0  }
0x23: {  	_ =	task [dreg:s6], $0x5FFFF  }
0x24: {  	[dreg:$0x1] =	wrdreg $0xFFFFFFFF  }
0x25: {  	[dreg:$0x0] =	wrdreg $0x60  }
0x26: {  	[dreg:$0x2] =	wrdreg s25  }
0x27: {  	[dreg:$0x3] =	wrdreg $0x9  }
0x28: {  	_ =	task.clear_ibuf [dreg:s6], $0x4FFFF;
	_ =	strace $0x90000046  }
0x29: {  	s29 =	simm.s32 $0x9;
	_ =	strace $0x80000048  }
0x2a: {  	_ =	swait.ge [sflag:s29], $0x1  }
0x2b: {  	[sflag:s29] =	ssyncadd.s32 $0xFFFFFFFF  }
0x2c: {  	_ =	strace $0x90000048  }
0x2d: {  	_ =	sfence  }
0x2e: {  	s30 =	sld [smem:$0x0];
	_ =	sdelay $0x2  }
0x2f: {  	s31 =	sshll.u32 s3, $0xD;
	s3 =	sshrl.u32 s3, $0x2  }
0x30: {  	s2 =	sand.u32 $0x4000, s31;
	s1 =	sadd.s32 s3, s30  }
0x31: {  	s0 =	sor.u32 s2, s0;
	s1 =	sshll.u32 s1, $0x11  }
0x32: {  	s0 =	sor.u32 s1, s0  }
0x33: {  	s0 =	sadd.s32 $0x8F2B, s0  }
0x34: {  	[sflag:s0] =	ssyncadd.remote.s32 $0x1  }
0x35: {  	_ =	sfence.sel $0xFFFF  }
0x36: {  	[dreg:$0x0] =	wrdreg $0xFFFFFFFF;
	(pc) =	sbr.abs _section_cstart, $3  }
0x37: {  	[dreg:$0x1] =	wrdreg $0xFFFFFFFF  }
0x38: {  	_ =	task.clear_ibuf [dreg:s6], $0x2FFFF;
	_ =	strace $0x9FFFFFFF  }
0x39: {  	(tm) =	ssettm $0x7FFFFFFF  }
tec
execute0_lowered:
.L_overlay_start_1:
0x0: {  	(tag) =	ssettag $0x1  }
0x1: {  	s8 =	rddreg [dreg:$0x0];
	s1 =	stileid.u32  }
0x2: {  	s0 =	rddreg [dreg:$0x1];
	s3 =	srdreg.scid  }
0x3: {  	_ =	strace $0x80000047;
	s31 =	simm.s32 $0x2;
	s17 =	simm.s32 $0x0  }
0x4: {  	s11 =	simm.s32 $0x80;
	s12 =	simm.s32 $0x0;
	s18 =	simm.s32 $0x0  }
0x5: {  	s19 =	simm.s32 $0x0;
	s16 =	simm.s32 $0x0;
	s2 =	sand.u32 $0x1, s1  }
0x6: {  	s4 =	sshll.u32 s1, $0x7;
	s3 =	sand.u32 $0x1, s3;
	s5 =	ssub.s32 $0x2, s2  }
0x7: {  	s4 =	sand.u32 $0x700, s4;
	s9 =	ssub.s32 $0x30, s3;
	s6 =	sshrl.u32 s5, $0x1  }
0x8: {  	s5 =	sand.u32 $0x1, s5;
	s7 =	ssub.s32 $0x800, s4;
	s10 =	sshrl.u32 s9, $0x1  }
0x9: {  	s5 =	sadd.s32 s5, s6;
	s30 =	sand.u32 $0x700, s7;
	s9 =	ssub.s32 s9, s10  }
0xa: {  	s6 =	simm.s32 $0x1;
	p0 =	sne.s32 s30, $0x0;
	s9 =	smul.u32 s5, s9  }
.Ltmp0:
0xb: {  	s7 =	sshrl.u32 s7, $0xB;
	s6 =	simm.s32 @!p0 $0x0;
	(pc) =	sbr.rel .LBB1_1-.Ltmp0, $4  }
0xc: {  	s13 =	smov.u32 s3;
	s15 =	smov.u32 s2;
	s7 =	sadd.s32 s6, s7  }
0xd: {  	s14 =	smov.u32 s4;
	s6 =	simm.s32 $0x1;
	s7 =	smul.u32 s7, s9  }
0xe: {  	s10 =	simm.s32 $0x40;
	s5 =	sadd.s32 $0x180A00, s8;
	[sflag:s6] =	ssyncpa.u1 $0x0  }
0xf: {  	s8 =	sadd.s32 $0x480A00, s8;
	[sflag:s31] =	ssyncpa.u1 $0x0;
	s9 =	sadd.s32 $0x1, s7  }
.LBB1_4:
0x10: {  	_ =	sdelay $0x2  }
0x11: {  	s19 =	smul.u32 $0x180000, s19  }
0x12: {  	[tilespmem:v1+s20+$0x10 ss:$0x1] =	vst.idx.msk $0xffff, v2  }
0x13: {  	[tilespmem:v1+s20+$0xFFFFFFE0 ss:$0x1] =	vst.idx.msk $0xffff, v4;
	s17 =	sshll.u32 s17, $0xF;
	s18 =	sshll.u32 s18, $0x4;
	s19 =	sadd.s32 s8, s19  }
0x14: {  	[tilespmem:v1+s20+$0xFFFFFFF0 ss:$0x1] =	vst.idx.msk $0xffff, v3;
	s18 =	sand.u32 $0x7FF0, s18;
	s17 =	sadd.s32 s17, s19  }
0x15: {  	[tilespmem:v1+s20+$0x0 ss:$0x1] =	vst.idx.msk $0xffff, v5;
	s17 =	sadd.s32 s18, s17  }
0x16: {  	[hbm4b:s17+s10] =	stream.strided.scatter [tilespmem:s21], [sflag:$0x2], $0x4000, s11, s10, $0x38;
	[tilespmem:$0x10000] =	vst v63  }
.LBB1_5:
0x17: {  	s20 =	sadd.s32 $0x2, s13  }
0x18: {  	s17 =	sadd.s32 $0x800, s14;
	s21 =	smov.u32 s14;
	p1 =	sgt.s32 s20, $0x2F  }
0x19: {  	s21 =	smov.u32 @p1 s17  }
0x1a: {  	s23 =	smov.u32 s15;
	s17 =	sadd.s32 $0x2, s15;
	p2 =	sgt.s32 s21, $0x7FF  }
0x1b: {  	s23 =	smov.u32 @p2 s17  }
0x1c: {  	s20 =	smov.u32 @p1 s3;
	p1 =	sgt.s32 s23, $0x1  }
0x1d: {  	p0 =	slt.u32 s16, $0x2;
	s23 =	smov.u32 @p1 s2;
	p1 =	sne.s32 s16, s9  }
.Ltmp1:
0x1e: {  	s22 =	simm.s32 @!p0 $0x2;
	(pc) =	sbr.rel @!p1 .LBB1_6-.Ltmp1, $4  }
0x1f: {  	s18 =	smov.u32 s14;
	s19 =	smov.u32 s15;
	_ =	swait.ge @!p0 [sflag:s22], $0x4000  }
0x20: {  	s12 =	sadd.s32 $0x4000, s12;
	[sflag:s22] =	ssyncset.done @!p0 $0x0;
	s21 =	smov.u32 @p2 s4  }
0x21: {  	s17 =	smov.u32 s13;
	[sflag:s22] =	ssyncadd.s32 @!p0 $0xFFFFC000;
	s13 =	smov.u32 s20  }
0x22: {  	s14 =	smov.u32 s21;
	s16 =	sadd.s32 $0x1, s16;
	s15 =	smov.u32 s23  }
.LBB1_1:
0x23: {  	p0 =	sge.u32 s16, s7  }
0x24: {  	s20 =	sand.u32 @!p0 $0x1FFFFFF, s13;
	s22 =	smul.u32 @!p0 $0x180000, s15  }
0x25: {  	s21 =	smulhi.u32 @!p0 $0x5555556, s20  }
0x26: {  	s24 =	smul.u32 @!p0 $0x300, s14  }
0x27: {  	s21 =	smul.u32 @!p0 $0x30, s21  }
0x28: {  	s31 =	sadd.s32 $0xFFFFFFFF, s16;
	s22 =	sadd.s32 @!p0 s5, s22  }
0x29: {  	s23 =	sxor.u32 @!p0 $0xFFFFFFFF, s16;
	s22 =	sadd.s32 @!p0 s24, s22;
	s20 =	ssub.s32 @!p0 s20, s21  }
0x2a: {  	s21 =	sshll.u32 @!p0 s23, $0xE;
	s23 =	simm.s32 @!p0 $0x1800;
	s20 =	sshll.u32 @!p0 s20, $0x4  }
0x2b: {  	s21 =	sand.u32 @!p0 $0x4000, s21;
	s20 =	sadd.s32 @!p0 s20, s22;
	s22 =	simm.s32 @!p0 $0x40  }
0x2c: {  	[tilespmem:s21], [sflag:$0x1] =	stream.strided.gather @!p0 [hbm4b:s20+s22], $0x4000, s23, s22, $0x38;
	[tilespmem:$0x10000] =	vst v63  }
0x2d: {  	p0 =	sge.u32 s31, s7  }
.Ltmp2:
0x2e: {  	_ = 	snop;
	(pc) =	sbr.rel @p0 .LBB1_5-.Ltmp2, $1  }
0x2f: {  	_ =	sdelay $0x3  }
0x30: {  	s21 =	sand.u32 $0x4000, s12  }
0x31: {  	v0 =	vmov s21;
	_ =	sdelay $0x1  }
0x32: {  	_ =	swait.ge [sflag:s6], $0x4000  }
0x33: {  	[sflag:s6] =	ssyncset.done $0x0  }
0x34: {  	s20 =	simm.s32 $0x0;
	[sflag:s6] =	ssyncadd.s32 $0xFFFFC000  }
0x35: {  	s23 =	sor.u32 $0x8020, s21;
	v2 =	vld.idx.msk [tilespmem:v0+s20+$0x30 ss:$0x1], $0xffff  }
0x36: {  	s22 =	sshll.u32 s16, $0xE;
	v1 =	vmov s23;
	v4 =	vld.idx.msk [tilespmem:v0+s20+$0x0 ss:$0x1], $0xffff  }
0x37: {  	s31 =	sand.u32 $0x4000, s22;
	v3 =	vld.idx.msk [tilespmem:v0+s20+$0x10 ss:$0x1], $0xffff  }
0x38: {  	s22 =	simm.s32 $0x100;
	s21 =	sor.u32 $0x8000, s31;
	v5 =	vld.idx.msk [tilespmem:v0+s20+$0x20 ss:$0x1], $0xffff  }
.LBB1_3:
0x39: {  	p0 =	sne.s32 s22, $0xFF00  }
.Ltmp3:
0x3a: {  	s23 =	sshra.s32 s22, $0x2;
	s22 =	sadd.s32 $0x100, s22;
	(pc) =	sbr.rel @p0 .LBB1_3-.Ltmp3, $4  }
0x3b: {  	[tilespmem:v1+s20+$0x10 ss:$0x1] =	vst.idx.msk $0xffff, v2;
	v2 =	vld.idx.msk [tilespmem:v0+s23+$0x30 ss:$0x1], $0xffff  }
0x3c: {  	[tilespmem:v1+s20+$0xFFFFFFE0 ss:$0x1] =	vst.idx.msk $0xffff, v4;
	v4 =	vld.idx.msk [tilespmem:v0+s23+$0x0 ss:$0x1], $0xffff  }
0x3d: {  	[tilespmem:v1+s20+$0xFFFFFFF0 ss:$0x1] =	vst.idx.msk $0xffff, v3;
	v3 =	vld.idx.msk [tilespmem:v0+s23+$0x10 ss:$0x1], $0xffff  }
0x3e: {  	[tilespmem:v1+s20+$0x0 ss:$0x1] =	vst.idx.msk $0xffff, v5;
	v5 =	vld.idx.msk [tilespmem:v0+s23+$0x20 ss:$0x1], $0xffff;
	s20 =	smov.u32 s23  }
.Ltmp4:
0x3f: {  	_ = 	snop;
	(pc) =	sbr.rel .LBB1_4-.Ltmp4, $1  }
0x40: {  	_ =	sdelay $0x3  }
.LBB1_6:
0x41: {  	_ =	sfence.sel $0x180000  }
0x42: {  	s2 =	simm.s32 $0x1;
	[bflag:$0x0] =	sbarrier.arrive $0xFFFF  }
0x43: {  	s31 =	simm.s32 $0x2;
	[sflag:s2] =	ssyncpa.u1 $0x1  }
0x44: {  	[sflag:s31] =	ssyncpa.u1 $0x1  }
0x45: {  	p0 =	sne.s32 s1, $0x0;
	_ =	strace $0x90000047  }
0x46: {  	s0 =	sadd.s32 @!p0 $0x100000, s0;
	[bflag:$0x2] =	sbarrier.arrive $0xFFFF  }
0x47: {  	[sflag:s0] =	ssyncadd.tile.s32 @!p0 $0x1;
	_ =	shalt  }
.Lfunc_end1:
_tile_overlayer_lowered:
.L_overlay_start_2:
0x48: {  	(tag) =	ssettag $0x2  }
0x49: {  	s0 =	rddreg [dreg:$0x0];
	s2 =	stileid.u32  }
0x4a: {  	s1 =	rddreg [dreg:$0x1];
	p0 =	sne.s32 s2, $0x0  }
0x4b: {  	s3 =	rddreg [dreg:$0x2];
	[bflag:$0x3] =	sbarrier.arrive $0xFFFF;
	s2 =	simm.s32 @!p0 $0x1C01  }
0x4c: {  	[timem:s3], [sflag:s2] =	dma.local @!p0 [hbm:s0], s1  }
0x4d: {  	s0 =	simm.s32 @!p0 $0x1  }
0x4e: {  	_ =	swait.ge @!p0 [sflag:s0], s1  }
0x4f: {  	s1 =	ssub.s32 @!p0 $0x0, s1;
	[sflag:s0] =	ssyncset.done @!p0 $0x0  }
0x50: {  	[sflag:s0] =	ssyncadd.s32 @!p0 s1  }
0x51: {  	[bflag:$0x3] =	sbarrier.arrive $0xFFFF  }
0x52: {  	_ =	shalt  }

</sc_bundles>
